<compile_context>
chip_gen: v7x
topology: tpu7x:2x2x1
jax: 0.10.2.dev20260603
libtpu: 0.0.44.dev20260713+nightly
codegen_flags: <defaults>
</compile_context>

<pallas_src>
import functools

import jax
import jax.numpy as jnp
from jax import lax
from jax.experimental import pallas as pl
from jax.experimental.pallas import tpu as pltpu
from jax.experimental.pallas import tpu_sc as plsc

N_ROWS = 1000000
BATCH = 16384
DIM = 16
NC = 2
NS = 16
NW = NC * NS
BPW = BATCH // NW
NB = 8
RB = BATCH // NB
RCH = 8192
CCH = -(-N_ROWS // RCH)


def _tc_rowmajor_body(ut_ref, it_ref, ou_ref, oi_ref):
    ou_ref[...] = ut_ref[...].T
    oi_ref[...] = it_ref[...].T


_tc_rowmajor = pl.pallas_call(
    _tc_rowmajor_body,
    grid=(CCH,),
    in_specs=[pl.BlockSpec((DIM, RCH), lambda c: (0, c)) for _ in range(2)],
    out_specs=[pl.BlockSpec((RCH, DIM), lambda c: (c, 0)) for _ in range(2)],
    out_shape=[jax.ShapeDtypeStruct((N_ROWS, DIM), jnp.float32)
               for _ in range(2)],
)

_mesh = plsc.VectorSubcoreMesh(core_axis_name="c", subcore_axis_name="s")


@functools.partial(
    pl.kernel,
    mesh=_mesh,
    out_type=[
        jax.ShapeDtypeStruct((BATCH, DIM), jnp.float32),
        jax.ShapeDtypeStruct((BATCH, DIM), jnp.float32),
        jax.ShapeDtypeStruct((BATCH, DIM), jnp.float32),
    ],
    compiler_params=pltpu.CompilerParams(
        needs_layout_passes=False,
        use_tc_tiling_on_sc=False,
    ),
    scratch_types=[
        pltpu.VMEM((BPW,), jnp.int32),
        pltpu.VMEM((BPW,), jnp.int32),
        pltpu.VMEM((BPW,), jnp.int32),
        pltpu.VMEM((BPW, DIM), jnp.float32),
        pltpu.VMEM((BPW, DIM), jnp.float32),
        pltpu.VMEM((BPW, DIM), jnp.float32),
        pltpu.SemaphoreType.DMA,
    ],
)
def _sc_gather(users_hbm, pos_hbm, neg_hbm, ut_hbm, it_hbm,
               out_u, out_p, out_n, iu, ip, ineg, ru, rp, rn, sem):
    wid = lax.axis_index("s") * NC + lax.axis_index("c")
    base = wid * BPW

    pltpu.sync_copy(users_hbm.at[pl.ds(base, BPW)], iu)
    pltpu.sync_copy(pos_hbm.at[pl.ds(base, BPW)], ip)
    pltpu.sync_copy(neg_hbm.at[pl.ds(base, BPW)], ineg)

    c1 = pltpu.async_copy(ut_hbm.at[iu], ru, sem)
    c2 = pltpu.async_copy(it_hbm.at[ip], rp, sem)
    c3 = pltpu.async_copy(it_hbm.at[ineg], rn, sem)
    c1.wait()
    c2.wait()
    c3.wait()

    pltpu.sync_copy(ru, out_u.at[pl.ds(base, BPW)])
    pltpu.sync_copy(rp, out_p.at[pl.ds(base, BPW)])
    pltpu.sync_copy(rn, out_n.at[pl.ds(base, BPW)])


def _tc_loss_body(u_ref, p_ref, n_ref, o_ref):
    i = pl.program_id(0)
    u = u_ref[...]
    sp = jnp.sum(u * p_ref[...], axis=1)
    sn = jnp.sum(u * n_ref[...], axis=1)
    part = jnp.sum(1.0 / (1.0 + jnp.exp(-sp))) + jnp.sum(1.0 / (1.0 + jnp.exp(sn)))

    @pl.when(i == 0)
    def _init():
        o_ref[...] = jnp.zeros_like(o_ref)

    o_ref[...] += (-part / BATCH).reshape(1, 1)


_tc_loss = pl.pallas_call(
    _tc_loss_body,
    grid=(NB,),
    in_specs=[pl.BlockSpec((RB, DIM), lambda i: (i, 0)) for _ in range(3)],
    out_specs=pl.BlockSpec((1, 1), lambda i: (0, 0)),
    out_shape=jax.ShapeDtypeStruct((1, 1), jnp.float32),
)


def kernel(users, pos_items, neg_items, user_table, item_table):
    u = users.astype(jnp.int32)
    p = pos_items.astype(jnp.int32)
    n = neg_items.reshape(-1).astype(jnp.int32)
    ut_lin, it_lin = _tc_rowmajor(user_table.T, item_table.T)
    gu, gp, gn = _sc_gather(u, p, n, ut_lin, it_lin)
    loss = _tc_loss(gu, gp, gn)[0, 0]
    return (loss, loss, jnp.float32(0.0))

# --- scband reference (transcript-rebuilt; emitter-appended) ---
"""Pipeline reference for scband-line-frame-84731114816069 (READ-ONLY COPY).

The authoritative reference and input builder live on the scoring server;
editing this copy changes nothing except your own understanding.
"""

import jax, jax.numpy as jnp
import numpy as np

N_USERS = 1000000
N_ITEMS = 1000000
DIM = 16
BATCH = 16384


def setup_inputs(seed: int = 0) -> dict:
    key = jax.random.key(seed)
    k1, k2, k3, k4, k5 = jax.random.split(key, 5)
    users = jax.random.randint(k1, (BATCH,), 0, N_USERS)
    pos_items = jax.random.randint(k2, (BATCH,), 0, N_ITEMS)
    neg_items = jax.random.randint(k3, (BATCH, 1), 0, N_ITEMS)
    # xavier_normal init for nn.Embedding weights: std = sqrt(2/(fan_in+fan_out))
    std_u = float(np.sqrt(2.0 / (N_USERS + DIM)))
    std_i = float(np.sqrt(2.0 / (N_ITEMS + DIM)))
    user_table = jax.random.normal(k4, (N_USERS, DIM), dtype=jnp.float32) * std_u
    item_table = jax.random.normal(k5, (N_ITEMS, DIM), dtype=jnp.float32) * std_i
    return {
        "users": users,
        "pos_items": pos_items,
        "neg_items": neg_items,
        "user_table": user_table,
        "item_table": item_table,
    }


def reference(users, pos_items, neg_items, user_table, item_table):
    # order == 1 path, deterministic branch (score_neg from (user, neg_item))
    neg_item = neg_items.squeeze(1)

    def forward_embed(h_idx, t_idx):
        h_embedding = jnp.take(user_table, h_idx, axis=0)
        t_embedding = jnp.take(item_table, t_idx, axis=0)
        return jnp.sum(h_embedding * t_embedding, axis=1)

    def neg_sampling_loss(sign, score):
        return -jnp.mean(jax.nn.sigmoid(sign * score))

    score_pos = forward_embed(users, pos_items)
    ones = jnp.ones_like(score_pos)
    score_neg = forward_embed(users, neg_item)
    loss = neg_sampling_loss(ones, score_pos) + neg_sampling_loss(-1.0 * ones, score_neg)
    return (loss, loss, jnp.float32(0.0))

if __name__ == "__main__":
    import jax
    _d = setup_inputs()
    print(jax.jit(kernel)(*tuple(_d.values())))

</pallas_src>

<mosaic_0001>
#map = affine_map<(d0, d1) -> (0)>
#map1 = affine_map<(d0, d1) -> (0, 0)>
module attributes {stable_mosaic.version = 14 : i64} {
  func.func @_sc_gather(%arg0: i32, %arg1: i32, %arg2: memref<16384xi32, #tpu.memory_space<hbm>>, %arg3: memref<16384xi32, #tpu.memory_space<hbm>>, %arg4: memref<16384xi32, #tpu.memory_space<hbm>>, %arg5: memref<1000000x16xf32, #tpu.memory_space<hbm>>, %arg6: memref<1000000x16xf32, #tpu.memory_space<hbm>>, %arg7: memref<16384x16xf32, #tpu.memory_space<hbm>>, %arg8: memref<16384x16xf32, #tpu.memory_space<hbm>>, %arg9: memref<16384x16xf32, #tpu.memory_space<hbm>>, %arg10: memref<512xi32, #tpu.memory_space<vmem>>, %arg11: memref<512xi32, #tpu.memory_space<vmem>>, %arg12: memref<512xi32, #tpu.memory_space<vmem>>, %arg13: memref<512x16xf32, #tpu.memory_space<vmem>>, %arg14: memref<512x16xf32, #tpu.memory_space<vmem>>, %arg15: memref<512x16xf32, #tpu.memory_space<vmem>>, %arg16: memref<!tpu.dma_semaphore, #tpu.memory_space<semaphore_mem>>) attributes {dimension_semantics = [#tpu.dimension_semantics<core_parallel>, #tpu.dimension_semantics<subcore_parallel>], iteration_bounds = array<i64: 2, 16>, scalar_prefetch = 0 : i64, scratch_operands = 7 : i64, tpu.core_type = #tpu.core_type<sc_vector_subcore>, window_params = [{transform_indices = #map}, {transform_indices = #map}, {transform_indices = #map}, {transform_indices = #map1}, {transform_indices = #map1}, {transform_indices = #map1}, {transform_indices = #map1}, {transform_indices = #map1}]} {
    %mul3A = arith.constant 2 : i32
    %mul3A_0 = arith.muli %arg1, %mul3A : i32
    %add3A = arith.addi %mul3A_0, %arg0 : i32
    %mul3A_1 = arith.constant 512 : i32
    %mul3A_2 = arith.muli %add3A, %mul3A_1 : i32
    "tpu.region"() ({
      %run_scoped3A = tpu.sem_alloc : memref<!tpu.dma_semaphore, #tpu.memory_space<semaphore_mem>>
      %dma_start3A_19 = tpu.memref_slice %arg2[%mul3A_2] : memref<16384xi32, #tpu.memory_space<hbm>> -> memref<512xi32, #tpu.memory_space<hbm>>
      %dma_start3A_20 = tpu.memref_slice %arg2[%mul3A_2] : memref<16384xi32, #tpu.memory_space<hbm>> -> memref<512xi32, #tpu.memory_space<hbm>>
      tpu.enqueue_dma source(%dma_start3A_20 : memref<512xi32, #tpu.memory_space<hbm>>) target(%arg10 : memref<512xi32, #tpu.memory_space<vmem>>) target_semaphore(%run_scoped3A : memref<!tpu.dma_semaphore, #tpu.memory_space<semaphore_mem>>)
      %dma_wait3A_21 = tpu.memref_slice %arg2[%mul3A_2] : memref<16384xi32, #tpu.memory_space<hbm>> -> memref<512xi32, #tpu.memory_space<hbm>>
      %dma_wait3A_22 = tpu.memref_slice %arg2[%mul3A_2] : memref<16384xi32, #tpu.memory_space<hbm>> -> memref<512xi32, #tpu.memory_space<hbm>>
      tpu.wait_dma2 semaphore(%run_scoped3A : memref<!tpu.dma_semaphore, #tpu.memory_space<semaphore_mem>>) src(%dma_wait3A_22 : memref<512xi32, #tpu.memory_space<hbm>>) dst(%arg10 : memref<512xi32, #tpu.memory_space<vmem>>)
      tpu.yield
    }) : () -> ()
    "tpu.region"() ({
      %run_scoped3A = tpu.sem_alloc : memref<!tpu.dma_semaphore, #tpu.memory_space<semaphore_mem>>
      %dma_start3A_19 = tpu.memref_slice %arg3[%mul3A_2] : memref<16384xi32, #tpu.memory_space<hbm>> -> memref<512xi32, #tpu.memory_space<hbm>>
      %dma_start3A_20 = tpu.memref_slice %arg3[%mul3A_2] : memref<16384xi32, #tpu.memory_space<hbm>> -> memref<512xi32, #tpu.memory_space<hbm>>
      tpu.enqueue_dma source(%dma_start3A_20 : memref<512xi32, #tpu.memory_space<hbm>>) target(%arg11 : memref<512xi32, #tpu.memory_space<vmem>>) target_semaphore(%run_scoped3A : memref<!tpu.dma_semaphore, #tpu.memory_space<semaphore_mem>>)
      %dma_wait3A_21 = tpu.memref_slice %arg3[%mul3A_2] : memref<16384xi32, #tpu.memory_space<hbm>> -> memref<512xi32, #tpu.memory_space<hbm>>
      %dma_wait3A_22 = tpu.memref_slice %arg3[%mul3A_2] : memref<16384xi32, #tpu.memory_space<hbm>> -> memref<512xi32, #tpu.memory_space<hbm>>
      tpu.wait_dma2 semaphore(%run_scoped3A : memref<!tpu.dma_semaphore, #tpu.memory_space<semaphore_mem>>) src(%dma_wait3A_22 : memref<512xi32, #tpu.memory_space<hbm>>) dst(%arg11 : memref<512xi32, #tpu.memory_space<vmem>>)
      tpu.yield
    }) : () -> ()
    "tpu.region"() ({
      %run_scoped3A = tpu.sem_alloc : memref<!tpu.dma_semaphore, #tpu.memory_space<semaphore_mem>>
      %dma_start3A_19 = tpu.memref_slice %arg4[%mul3A_2] : memref<16384xi32, #tpu.memory_space<hbm>> -> memref<512xi32, #tpu.memory_space<hbm>>
      %dma_start3A_20 = tpu.memref_slice %arg4[%mul3A_2] : memref<16384xi32, #tpu.memory_space<hbm>> -> memref<512xi32, #tpu.memory_space<hbm>>
      tpu.enqueue_dma source(%dma_start3A_20 : memref<512xi32, #tpu.memory_space<hbm>>) target(%arg12 : memref<512xi32, #tpu.memory_space<vmem>>) target_semaphore(%run_scoped3A : memref<!tpu.dma_semaphore, #tpu.memory_space<semaphore_mem>>)
      %dma_wait3A_21 = tpu.memref_slice %arg4[%mul3A_2] : memref<16384xi32, #tpu.memory_space<hbm>> -> memref<512xi32, #tpu.memory_space<hbm>>
      %dma_wait3A_22 = tpu.memref_slice %arg4[%mul3A_2] : memref<16384xi32, #tpu.memory_space<hbm>> -> memref<512xi32, #tpu.memory_space<hbm>>
      tpu.wait_dma2 semaphore(%run_scoped3A : memref<!tpu.dma_semaphore, #tpu.memory_space<semaphore_mem>>) src(%dma_wait3A_22 : memref<512xi32, #tpu.memory_space<hbm>>) dst(%arg12 : memref<512xi32, #tpu.memory_space<vmem>>)
      tpu.yield
    }) : () -> ()
    %dma_start3A = arith.constant 0 : i32
    %dma_start3A_3 = arith.constant 0 : i32
    %dma_start3A_4 = tpu.memref_slice %arg5[%dma_start3A, %dma_start3A_3] : memref<1000000x16xf32, #tpu.memory_space<hbm>> -> memref<1000000x16xf32, #tpu.memory_space<hbm>>
    tpu.enqueue_indirect_dma source(%dma_start3A_4 : memref<1000000x16xf32, #tpu.memory_space<hbm>>) target(%arg13 : memref<512x16xf32, #tpu.memory_space<vmem>>) offsets(%arg10 : memref<512xi32, #tpu.memory_space<vmem>>) semaphore(%arg16 : memref<!tpu.dma_semaphore, #tpu.memory_space<semaphore_mem>>)
    %dma_start3A_5 = arith.constant 0 : i32
    %dma_start3A_6 = arith.constant 0 : i32
    %dma_start3A_7 = tpu.memref_slice %arg6[%dma_start3A_5, %dma_start3A_6] : memref<1000000x16xf32, #tpu.memory_space<hbm>> -> memref<1000000x16xf32, #tpu.memory_space<hbm>>
    tpu.enqueue_indirect_dma source(%dma_start3A_7 : memref<1000000x16xf32, #tpu.memory_space<hbm>>) target(%arg14 : memref<512x16xf32, #tpu.memory_space<vmem>>) offsets(%arg11 : memref<512xi32, #tpu.memory_space<vmem>>) semaphore(%arg16 : memref<!tpu.dma_semaphore, #tpu.memory_space<semaphore_mem>>)
    %dma_start3A_8 = arith.constant 0 : i32
    %dma_start3A_9 = arith.constant 0 : i32
    %dma_start3A_10 = tpu.memref_slice %arg6[%dma_start3A_8, %dma_start3A_9] : memref<1000000x16xf32, #tpu.memory_space<hbm>> -> memref<1000000x16xf32, #tpu.memory_space<hbm>>
    tpu.enqueue_indirect_dma source(%dma_start3A_10 : memref<1000000x16xf32, #tpu.memory_space<hbm>>) target(%arg15 : memref<512x16xf32, #tpu.memory_space<vmem>>) offsets(%arg12 : memref<512xi32, #tpu.memory_space<vmem>>) semaphore(%arg16 : memref<!tpu.dma_semaphore, #tpu.memory_space<semaphore_mem>>)
    %dma_wait3A = arith.constant 0 : i32
    %dma_wait3A_11 = arith.constant 0 : i32
    %dma_wait3A_12 = tpu.memref_slice %arg5[%dma_wait3A, %dma_wait3A_11] : memref<1000000x16xf32, #tpu.memory_space<hbm>> -> memref<1000000x16xf32, #tpu.memory_space<hbm>>
    tpu.wait_indirect_dma semaphore(%arg16 : memref<!tpu.dma_semaphore, #tpu.memory_space<semaphore_mem>>) src(%dma_wait3A_12 : memref<1000000x16xf32, #tpu.memory_space<hbm>>) dst(%arg13 : memref<512x16xf32, #tpu.memory_space<vmem>>)
    %dma_wait3A_13 = arith.constant 0 : i32
    %dma_wait3A_14 = arith.constant 0 : i32
    %dma_wait3A_15 = tpu.memref_slice %arg6[%dma_wait3A_13, %dma_wait3A_14] : memref<1000000x16xf32, #tpu.memory_space<hbm>> -> memref<1000000x16xf32, #tpu.memory_space<hbm>>
    tpu.wait_indirect_dma semaphore(%arg16 : memref<!tpu.dma_semaphore, #tpu.memory_space<semaphore_mem>>) src(%dma_wait3A_15 : memref<1000000x16xf32, #tpu.memory_space<hbm>>) dst(%arg14 : memref<512x16xf32, #tpu.memory_space<vmem>>)
    %dma_wait3A_16 = arith.constant 0 : i32
    %dma_wait3A_17 = arith.constant 0 : i32
    %dma_wait3A_18 = tpu.memref_slice %arg6[%dma_wait3A_16, %dma_wait3A_17] : memref<1000000x16xf32, #tpu.memory_space<hbm>> -> memref<1000000x16xf32, #tpu.memory_space<hbm>>
    tpu.wait_indirect_dma semaphore(%arg16 : memref<!tpu.dma_semaphore, #tpu.memory_space<semaphore_mem>>) src(%dma_wait3A_18 : memref<1000000x16xf32, #tpu.memory_space<hbm>>) dst(%arg15 : memref<512x16xf32, #tpu.memory_space<vmem>>)
    "tpu.region"() ({
      %run_scoped3A = tpu.sem_alloc : memref<!tpu.dma_semaphore, #tpu.memory_space<semaphore_mem>>
      %dma_start3A_19 = arith.constant 0 : i32
      %dma_start3A_20 = tpu.memref_slice %arg7[%mul3A_2, %dma_start3A_19] : memref<16384x16xf32, #tpu.memory_space<hbm>> -> memref<512x16xf32, #tpu.memory_space<hbm>>
      %dma_start3A_21 = arith.constant 0 : i32
      %dma_start3A_22 = tpu.memref_slice %arg7[%mul3A_2, %dma_start3A_21] : memref<16384x16xf32, #tpu.memory_space<hbm>> -> memref<512x16xf32, #tpu.memory_space<hbm>>
      tpu.enqueue_dma source(%arg13 : memref<512x16xf32, #tpu.memory_space<vmem>>) target(%dma_start3A_22 : memref<512x16xf32, #tpu.memory_space<hbm>>) target_semaphore(%run_scoped3A : memref<!tpu.dma_semaphore, #tpu.memory_space<semaphore_mem>>)
      %dma_wait3A_23 = arith.constant 0 : i32
      %dma_wait3A_24 = tpu.memref_slice %arg7[%mul3A_2, %dma_wait3A_23] : memref<16384x16xf32, #tpu.memory_space<hbm>> -> memref<512x16xf32, #tpu.memory_space<hbm>>
      %dma_wait3A_25 = arith.constant 0 : i32
      %dma_wait3A_26 = tpu.memref_slice %arg7[%mul3A_2, %dma_wait3A_25] : memref<16384x16xf32, #tpu.memory_space<hbm>> -> memref<512x16xf32, #tpu.memory_space<hbm>>
      tpu.wait_dma2 semaphore(%run_scoped3A : memref<!tpu.dma_semaphore, #tpu.memory_space<semaphore_mem>>) src(%arg13 : memref<512x16xf32, #tpu.memory_space<vmem>>) dst(%dma_wait3A_26 : memref<512x16xf32, #tpu.memory_space<hbm>>)
      tpu.yield
    }) : () -> ()
    "tpu.region"() ({
      %run_scoped3A = tpu.sem_alloc : memref<!tpu.dma_semaphore, #tpu.memory_space<semaphore_mem>>
      %dma_start3A_19 = arith.constant 0 : i32
      %dma_start3A_20 = tpu.memref_slice %arg8[%mul3A_2, %dma_start3A_19] : memref<16384x16xf32, #tpu.memory_space<hbm>> -> memref<512x16xf32, #tpu.memory_space<hbm>>
      %dma_start3A_21 = arith.constant 0 : i32
      %dma_start3A_22 = tpu.memref_slice %arg8[%mul3A_2, %dma_start3A_21] : memref<16384x16xf32, #tpu.memory_space<hbm>> -> memref<512x16xf32, #tpu.memory_space<hbm>>
      tpu.enqueue_dma source(%arg14 : memref<512x16xf32, #tpu.memory_space<vmem>>) target(%dma_start3A_22 : memref<512x16xf32, #tpu.memory_space<hbm>>) target_semaphore(%run_scoped3A : memref<!tpu.dma_semaphore, #tpu.memory_space<semaphore_mem>>)
      %dma_wait3A_23 = arith.constant 0 : i32
      %dma_wait3A_24 = tpu.memref_slice %arg8[%mul3A_2, %dma_wait3A_23] : memref<16384x16xf32, #tpu.memory_space<hbm>> -> memref<512x16xf32, #tpu.memory_space<hbm>>
      %dma_wait3A_25 = arith.constant 0 : i32
      %dma_wait3A_26 = tpu.memref_slice %arg8[%mul3A_2, %dma_wait3A_25] : memref<16384x16xf32, #tpu.memory_space<hbm>> -> memref<512x16xf32, #tpu.memory_space<hbm>>
      tpu.wait_dma2 semaphore(%run_scoped3A : memref<!tpu.dma_semaphore, #tpu.memory_space<semaphore_mem>>) src(%arg14 : memref<512x16xf32, #tpu.memory_space<vmem>>) dst(%dma_wait3A_26 : memref<512x16xf32, #tpu.memory_space<hbm>>)
      tpu.yield
    }) : () -> ()
    "tpu.region"() ({
      %run_scoped3A = tpu.sem_alloc : memref<!tpu.dma_semaphore, #tpu.memory_space<semaphore_mem>>
      %dma_start3A_19 = arith.constant 0 : i32
      %dma_start3A_20 = tpu.memref_slice %arg9[%mul3A_2, %dma_start3A_19] : memref<16384x16xf32, #tpu.memory_space<hbm>> -> memref<512x16xf32, #tpu.memory_space<hbm>>
      %dma_start3A_21 = arith.constant 0 : i32
      %dma_start3A_22 = tpu.memref_slice %arg9[%mul3A_2, %dma_start3A_21] : memref<16384x16xf32, #tpu.memory_space<hbm>> -> memref<512x16xf32, #tpu.memory_space<hbm>>
      tpu.enqueue_dma source(%arg15 : memref<512x16xf32, #tpu.memory_space<vmem>>) target(%dma_start3A_22 : memref<512x16xf32, #tpu.memory_space<hbm>>) target_semaphore(%run_scoped3A : memref<!tpu.dma_semaphore, #tpu.memory_space<semaphore_mem>>)
      %dma_wait3A_23 = arith.constant 0 : i32
      %dma_wait3A_24 = tpu.memref_slice %arg9[%mul3A_2, %dma_wait3A_23] : memref<16384x16xf32, #tpu.memory_space<hbm>> -> memref<512x16xf32, #tpu.memory_space<hbm>>
      %dma_wait3A_25 = arith.constant 0 : i32
      %dma_wait3A_26 = tpu.memref_slice %arg9[%mul3A_2, %dma_wait3A_25] : memref<16384x16xf32, #tpu.memory_space<hbm>> -> memref<512x16xf32, #tpu.memory_space<hbm>>
      tpu.wait_dma2 semaphore(%run_scoped3A : memref<!tpu.dma_semaphore, #tpu.memory_space<semaphore_mem>>) src(%arg15 : memref<512x16xf32, #tpu.memory_space<vmem>>) dst(%dma_wait3A_26 : memref<512x16xf32, #tpu.memory_space<hbm>>)
      tpu.yield
    }) : () -> ()
    return
  }
}

module attributes {stable_mosaic.version = 14 : i64} {
  func.func @_tc_rowmajor_body(%arg0: i32, %arg1: memref<16x8192xf32, #tpu.memory_space<vmem>>, %arg2: memref<16x8192xf32, #tpu.memory_space<vmem>>, %arg3: memref<8192x16xf32, #tpu.memory_space<vmem>>, %arg4: memref<8192x16xf32, #tpu.memory_space<vmem>>) attributes {dimension_semantics = [#tpu.dimension_semantics<arbitrary>], iteration_bounds = array<i64: 123>, scalar_prefetch = 0 : i64, scratch_operands = 0 : i64, tpu.core_type = #tpu.core_type<tc>, window_params = [{transform_indices = @transform_0, window_bounds = array<i64: 16, 8192>}, {transform_indices = @transform_1, window_bounds = array<i64: 16, 8192>}, {transform_indices = @transform_2, window_bounds = array<i64: 8192, 16>}, {transform_indices = @transform_3, window_bounds = array<i64: 8192, 16>}]} {
    %get3A = arith.constant 0 : index
    %get3A_0 = arith.constant 0 : index
    %get3A_1 = vector.load %arg1[%get3A, %get3A_0] : memref<16x8192xf32, #tpu.memory_space<vmem>>, vector<16x8192xf32>
    %transpose3A = tpu.transpose %get3A_1, [1, 0] : vector<16x8192xf32> -> vector<8192x16xf32>
    %swap3A = arith.constant 0 : index
    %swap3A_2 = arith.constant 0 : index
    %swap3A_3 = vector.load %arg3[%swap3A, %swap3A_2] : memref<8192x16xf32, #tpu.memory_space<vmem>>, vector<8192x16xf32>
    tpu.vector_store %arg3[%swap3A, %swap3A_2], %transpose3A {strides = array<i32>} : memref<8192x16xf32, #tpu.memory_space<vmem>>, vector<8192x16xf32>,
    %get3A_4 = arith.constant 0 : index
    %get3A_5 = arith.constant 0 : index
    %get3A_6 = vector.load %arg2[%get3A_4, %get3A_5] : memref<16x8192xf32, #tpu.memory_space<vmem>>, vector<16x8192xf32>
    %transpose3A_7 = tpu.transpose %get3A_6, [1, 0] : vector<16x8192xf32> -> vector<8192x16xf32>
    %swap3A_8 = arith.constant 0 : index
    %swap3A_9 = arith.constant 0 : index
    %swap3A_10 = vector.load %arg4[%swap3A_8, %swap3A_9] : memref<8192x16xf32, #tpu.memory_space<vmem>>, vector<8192x16xf32>
    tpu.vector_store %arg4[%swap3A_8, %swap3A_9], %transpose3A_7 {strides = array<i32>} : memref<8192x16xf32, #tpu.memory_space<vmem>>, vector<8192x16xf32>,
    return
  }
  func.func @transform_0(%arg0: i32) -> (i32, i32) {
    %c0_i32 = arith.constant 0 : i32
    %c0_i32_0 = arith.constant 0 : i32
    return %c0_i32, %arg0 : i32, i32
  }
  func.func @transform_1(%arg0: i32) -> (i32, i32) {
    %c0_i32 = arith.constant 0 : i32
    %c0_i32_0 = arith.constant 0 : i32
    return %c0_i32, %arg0 : i32, i32
  }
  func.func @transform_2(%arg0: i32) -> (i32, i32) {
    %c0_i32 = arith.constant 0 : i32
    %c0_i32_0 = arith.constant 0 : i32
    return %arg0, %c0_i32 : i32, i32
  }
  func.func @transform_3(%arg0: i32) -> (i32, i32) {
    %c0_i32 = arith.constant 0 : i32
    %c0_i32_0 = arith.constant 0 : i32
    return %arg0, %c0_i32 : i32, i32
  }
}

module attributes {stable_mosaic.version = 14 : i64} {
  func.func @_tc_loss_body(%arg0: i32, %arg1: memref<2048x16xf32, #tpu.memory_space<vmem>>, %arg2: memref<2048x16xf32, #tpu.memory_space<vmem>>, %arg3: memref<2048x16xf32, #tpu.memory_space<vmem>>, %arg4: memref<1x1xf32, #tpu.memory_space<vmem>>) attributes {dimension_semantics = [#tpu.dimension_semantics<arbitrary>], iteration_bounds = array<i64: 8>, scalar_prefetch = 0 : i64, scratch_operands = 0 : i64, tpu.core_type = #tpu.core_type<tc>, window_params = [{transform_indices = @transform_0, window_bounds = array<i64: 2048, 16>}, {transform_indices = @transform_1, window_bounds = array<i64: 2048, 16>}, {transform_indices = @transform_2, window_bounds = array<i64: 2048, 16>}, {pipeline_mode = #tpu.pipeline_mode<synchronous>, transform_indices = @transform_3, window_bounds = array<i64: 1, 1>}]} {
    %get3A = arith.constant 0 : index
    %get3A_0 = arith.constant 0 : index
    %get3A_1 = vector.load %arg1[%get3A, %get3A_0] : memref<2048x16xf32, #tpu.memory_space<vmem>>, vector<2048x16xf32>
    %get3A_2 = arith.constant 0 : index
    %get3A_3 = arith.constant 0 : index
    %get3A_4 = vector.load %arg2[%get3A_2, %get3A_3] : memref<2048x16xf32, #tpu.memory_space<vmem>>, vector<2048x16xf32>
    %mul3A = arith.mulf %get3A_1, %get3A_4 : vector<2048x16xf32>
    %reduce_sum3A = arith.constant dense<0.000000e+00> : vector<2048xf32>
    %reduce_sum3A_5 = vector.multi_reduction <add>, %mul3A, %reduce_sum3A [1] : vector<2048x16xf32> to vector<2048xf32>
    %get3A_6 = arith.constant 0 : index
    %get3A_7 = arith.constant 0 : index
    %get3A_8 = vector.load %arg3[%get3A_6, %get3A_7] : memref<2048x16xf32, #tpu.memory_space<vmem>>, vector<2048x16xf32>
    %mul3A_9 = arith.mulf %get3A_1, %get3A_8 : vector<2048x16xf32>
    %reduce_sum3A_10 = arith.constant dense<0.000000e+00> : vector<2048xf32>
    %reduce_sum3A_11 = vector.multi_reduction <add>, %mul3A_9, %reduce_sum3A_10 [1] : vector<2048x16xf32> to vector<2048xf32>
    %neg3A = arith.constant 0.000000e+00 : f32
    %neg3A_12 = vector.broadcast %neg3A : f32 to vector<2048xf32>
    %neg3A_13 = arith.subf %neg3A_12, %reduce_sum3A_5 : vector<2048xf32>
    %exp3A = math.exp %neg3A_13 : vector<2048xf32>
    %add3A = arith.constant 1.000000e+00 : f32
    %add3A_14 = vector.broadcast %add3A : f32 to vector<2048xf32>
    %add3A_15 = arith.addf %add3A_14, %exp3A : vector<2048xf32>
    %div3A = arith.constant 1.000000e+00 : f32
    %div3A_16 = vector.broadcast %div3A : f32 to vector<2048xf32>
    %div3A_17 = arith.divf %div3A_16, %add3A_15 : vector<2048xf32>
    %reduce_sum3A_18 = vector.shape_cast %div3A_17 : vector<2048xf32> to vector<1x2048xf32>
    %reduce_sum3A_19 = arith.constant dense<0.000000e+00> : vector<1xf32>
    %reduce_sum3A_20 = vector.multi_reduction <add>, %reduce_sum3A_18, %reduce_sum3A_19 [1] : vector<1x2048xf32> to vector<1xf32>
    %reduce_sum3A_21 = vector.shape_cast %reduce_sum3A_20 : vector<1xf32> to vector<1x1xf32>
    %reduce_sum3A_22 = vector.extract %reduce_sum3A_21[0, 0] : f32 from vector<1x1xf32>
    %exp3A_23 = math.exp %reduce_sum3A_11 : vector<2048xf32>
    %add3A_24 = arith.constant 1.000000e+00 : f32
    %add3A_25 = vector.broadcast %add3A_24 : f32 to vector<2048xf32>
    %add3A_26 = arith.addf %add3A_25, %exp3A_23 : vector<2048xf32>
    %div3A_27 = arith.constant 1.000000e+00 : f32
    %div3A_28 = vector.broadcast %div3A_27 : f32 to vector<2048xf32>
    %div3A_29 = arith.divf %div3A_28, %add3A_26 : vector<2048xf32>
    %reduce_sum3A_30 = vector.shape_cast %div3A_29 : vector<2048xf32> to vector<1x2048xf32>
    %reduce_sum3A_31 = arith.constant dense<0.000000e+00> : vector<1xf32>
    %reduce_sum3A_32 = vector.multi_reduction <add>, %reduce_sum3A_30, %reduce_sum3A_31 [1] : vector<1x2048xf32> to vector<1xf32>
    %reduce_sum3A_33 = vector.shape_cast %reduce_sum3A_32 : vector<1xf32> to vector<1x1xf32>
    %reduce_sum3A_34 = vector.extract %reduce_sum3A_33[0, 0] : f32 from vector<1x1xf32>
    %add3A_35 = arith.addf %reduce_sum3A_22, %reduce_sum3A_34 : f32
    %eq3A = arith.constant 0 : i32
    %eq3A_36 = arith.cmpi eq, %arg0, %eq3A : i32
    %convert_element_type3A = arith.extui %eq3A_36 : i1 to i32
    %cond3A = arith.constant 0 : i32
    %cond3A_37 = arith.cmpi ne, %convert_element_type3A, %cond3A : i32
    scf.if %cond3A_37 {
      %broadcast_in_dim3A = arith.constant 0.000000e+00 : f32
      %broadcast_in_dim3A_48 = vector.broadcast %broadcast_in_dim3A : f32 to vector<1x1xf32>
      %swap3A_49 = arith.constant 0 : index
      %swap3A_50 = arith.constant 0 : index
      %swap3A_51 = vector.load %arg4[%swap3A_49, %swap3A_50] : memref<1x1xf32, #tpu.memory_space<vmem>>, vector<1x1xf32>
      tpu.vector_store %arg4[%swap3A_49, %swap3A_50], %broadcast_in_dim3A_48 {strides = array<i32>} : memref<1x1xf32, #tpu.memory_space<vmem>>, vector<1x1xf32>,
    } else {
    }
    %get3A_38 = arith.constant 0 : index
    %get3A_39 = arith.constant 0 : index
    %get3A_40 = vector.load %arg4[%get3A_38, %get3A_39] : memref<1x1xf32, #tpu.memory_space<vmem>>, vector<1x1xf32>
    %neg3A_41 = arith.constant 0.000000e+00 : f32
    %neg3A_42 = arith.subf %neg3A_41, %add3A_35 : f32
    %div3A_43 = arith.constant 1.638400e+04 : f32
    %div3A_44 = arith.divf %neg3A_42, %div3A_43 : f32
    %reshape3A = vector.broadcast %div3A_44 : f32 to vector<1x1xf32>
    %add3A_45 = arith.addf %get3A_40, %reshape3A : vector<1x1xf32>
    %swap3A = arith.constant 0 : index
    %swap3A_46 = arith.constant 0 : index
    %swap3A_47 = vector.load %arg4[%swap3A, %swap3A_46] : memref<1x1xf32, #tpu.memory_space<vmem>>, vector<1x1xf32>
    tpu.vector_store %arg4[%swap3A, %swap3A_46], %add3A_45 {strides = array<i32>} : memref<1x1xf32, #tpu.memory_space<vmem>>, vector<1x1xf32>,
    return
  }
  func.func @transform_0(%arg0: i32) -> (i32, i32) {
    %c0_i32 = arith.constant 0 : i32
    %c0_i32_0 = arith.constant 0 : i32
    return %arg0, %c0_i32 : i32, i32
  }
  func.func @transform_1(%arg0: i32) -> (i32, i32) {
    %c0_i32 = arith.constant 0 : i32
    %c0_i32_0 = arith.constant 0 : i32
    return %arg0, %c0_i32 : i32, i32
  }
  func.func @transform_2(%arg0: i32) -> (i32, i32) {
    %c0_i32 = arith.constant 0 : i32
    %c0_i32_0 = arith.constant 0 : i32
    return %arg0, %c0_i32 : i32, i32
  }
  func.func @transform_3(%arg0: i32) -> (i32, i32) {
    %c0_i32 = arith.constant 0 : i32
    %c0_i32_0 = arith.constant 0 : i32
    %c0_i32_1 = arith.constant 0 : i32
    return %c0_i32, %c0_i32_0 : i32, i32
  }
}

</mosaic_0001>

<sc_bundles>
// kernel: kernel.5.cloned.1.call-start
scs
__scs_entry_jumppad:
0x0: {  	(pc) =	sbr.rel $0x88, $3  }
0x1: {  	(tag) =	ssettag $0x0;
	lr =	simm.s32 $0x1  }
0x2: {  	[smem:$0x3F9C] =	sst lr;
	_ =	strace $0xD0000000  }
0x3: {  	_ = 	snop  }
0x4: {  	_ = 	snop  }
0x5: {  	_ = 	snop  }
0x6: {  	_ = 	snop  }
0x7: {  	_ = 	snop  }
__scs_overlays_trampoline_lowered:
0x8: {  	[smem:$0x3FAB] =	sst s0  }
0x9: {  	[smem:$0x3FAC] =	sst s1  }
0xa: {  	[smem:$0x3FAD] =	sst s2  }
0xb: {  	[smem:$0x3FAE] =	sst s3  }
0xc: {  	[smem:$0x3FAF] =	sst s4  }
0xd: {  	[smem:$0x3FB0] =	sst s5  }
0xe: {  	[smem:$0x3FB1] =	sst s6  }
0xf: {  	[smem:$0x3FB2] =	sst s7  }
0x10: {  	[smem:$0x3FB3] =	sst s8  }
0x11: {  	[smem:$0x3FB4] =	sst s9;
	s0 =	simm.s32 @!p0 $0x0  }
0x12: {  	s1 =	sld [smem:$0x3F9A];
	s0 =	simm.s32 @p0 $0x1  }
0x13: {  	[smem:$0x3FB5] =	sst s0;
	s0 =	simm.s32 @!p1 $0x0  }
0x14: {  	s2 =	sld [smem:$0x3F99];
	s0 =	simm.s32 @p1 $0x1  }
0x15: {  	[smem:$0x3FB6] =	sst s0;
	s0 =	simm.s32 @!p2 $0x0  }
0x16: {  	s3 =	sld [smem:$0x3FDB];
	s0 =	simm.s32 @p2 $0x1  }
0x17: {  	s4 =	simm.s32 $0x1BF5;
	[smem:$0x3FB8] =	sst s0  }
0x18: {  	s0 =	sld [smem:$0x3F9B];
	_ =	swait.ge [sflag:s4], $0x0  }
0x19: {  	s7 =	sld [smem:$0x3F9C]  }
0x1a: {  	s8 =	sadd.s32 $0xFFFFE003, lr  }
0x1b: {  	s9 =	sadd.s32 $0xFFFFFEF7, lr;
	s5 =	simm.s32 $0xFFFFFFFF;
	p2 =	slt.u32 s8, $0xFFFFF086  }
0x1c: {  	p1 =	slt.u32 s9, $0xF7A;
	s5 =	simm.s32 @!p2 $0x0  }
0x1d: {  	s5 =	simm.s32 @p1 $0x1;
	p0 =	seq.s32 s7, s2  }
0x1e: {  	s7 =	smul.u32 @!p0 $0xF7A, s2;
	p2 =	seq.s32 @!p0 s5, $0x0  }
0x1f: {  	s9 =	smul.u32 $0xF7A, s1;
	s8 =	simm.s32 @!p0 $0x1BF5;
	p2 =	por !p2, p0  }
0x20: {  	[sflag:s8] =	ssyncset.s32 @!p0 $0xFFFFF086;
	s6 =	sadd.s32 @!p0 s3, s7;
	s7 =	simm.s32 @!p0 $0x108  }
0x21: {  	s3 =	sadd.s32 s3, s9;
	s6 =	sadd.s32 @!p0 $0x88, s6;
	s7 =	simm.s32 @p2 $0x1082  }
0x22: {  	[simem:s7], [sflag:s8] =	dma.local @!p0 [hbm:s6], $0xF7A  }
0x23: {  	s9 =	sor.u32 $0xD0000000, s2;
	s6 =	simm.s32 $0x108;
	_ =	swait.ge @!p0 [sflag:s8], $0x0  }
0x24: {  	s3 =	sadd.s32 $0x88, s3;
	s6 =	simm.s32 @!p1 $0x1082;
	[sflag:s4] =	ssyncset.s32 $0xFFFFF086  }
0x25: {  	[simem:s6], [sflag:s4] =	dma.local [hbm:s3], $0xF7A  }
0x26: {  	[smem:$0x3F9C] =	sst s1;
	(tag) =	ssettag s2;
	_ =	strace s9  }
0x27: {  	s1 =	sld [smem:$0x3FAC]  }
0x28: {  	s2 =	sld [smem:$0x3FAD]  }
0x29: {  	s4 =	sld [smem:$0x3FAF]  }
0x2a: {  	p0 =	seq.s32 s5, $0x0;
	s5 =	sld [smem:$0x3FB0]  }
0x2b: {  	s6 =	sld [smem:$0x3FB1]  }
0x2c: {  	s7 =	sld [smem:$0x3FB2]  }
0x2d: {  	s3 =	simm.s32 $0x108;
	s8 =	sld [smem:$0x3FB3]  }
0x2e: {  	s3 =	simm.s32 @!p0 $0x1082;
	s9 =	sld [smem:$0x3FB4]  }
0x2f: {  	lr =	sadd.s32 s0, s3;
	s0 =	sld [smem:$0x3FAB]  }
0x30: {  	s3 =	sld [smem:$0x3FAE]  }
0x31: {  	[smem:$0x3FB7] =	sst s10  }
0x32: {  	s10 =	sld [smem:$0x3FB5];
	_ =	sdelay $0x3  }
0x33: {  	p0 =	seq.s32 s10, $0x1;
	s10 =	sld [smem:$0x3FB7];
	_ =	sdelay $0x3  }
0x34: {  	[smem:$0x3FB7] =	sst s10  }
0x35: {  	s10 =	sld [smem:$0x3FB6];
	_ =	sdelay $0x3  }
0x36: {  	p1 =	seq.s32 s10, $0x1;
	s10 =	sld [smem:$0x3FB7];
	_ =	sdelay $0x3  }
0x37: {  	[smem:$0x3FB7] =	sst s10  }
0x38: {  	s10 =	sld [smem:$0x3FB8]  }
0x39: {  	_ = 	snop;
	(pc) =	sbr.ind lr, $3  }
0x3a: {  	_ = 	snop  }
0x3b: {  	_ = 	snop  }
0x3c: {  	p2 =	seq.s32 s10, $0x1;
	s10 =	sld [smem:$0x3FB7]  }
0x3d: {  	_ =	shalt  }
0x3e: {  	_ =	shalt  }
0x3f: {  	_ =	shalt  }
0x40: {  	_ =	shalt  }
0x41: {  	_ =	shalt  }
0x42: {  	_ =	shalt  }
0x43: {  	_ =	shalt  }
0x44: {  	_ =	shalt  }
0x45: {  	_ =	shalt  }
0x46: {  	_ =	shalt  }
0x47: {  	_ =	shalt  }
0x48: {  	_ =	shalt  }
0x49: {  	_ =	shalt  }
0x4a: {  	_ =	shalt  }
0x4b: {  	_ =	shalt  }
0x4c: {  	_ =	shalt  }
0x4d: {  	_ =	shalt  }
0x4e: {  	_ =	shalt  }
0x4f: {  	_ =	shalt  }
0x50: {  	_ =	shalt  }
0x51: {  	_ =	shalt  }
0x52: {  	_ =	shalt  }
0x53: {  	_ =	shalt  }
0x54: {  	_ =	shalt  }
0x55: {  	_ =	shalt  }
0x56: {  	_ =	shalt  }
0x57: {  	_ =	shalt  }
0x58: {  	_ =	shalt  }
0x59: {  	_ =	shalt  }
0x5a: {  	_ =	shalt  }
0x5b: {  	_ =	shalt  }
0x5c: {  	_ =	shalt  }
0x5d: {  	_ =	shalt  }
0x5e: {  	_ =	shalt  }
0x5f: {  	_ =	shalt  }
0x60: {  	_ =	shalt  }
0x61: {  	_ =	shalt  }
0x62: {  	_ =	shalt  }
0x63: {  	_ =	shalt  }
0x64: {  	_ =	shalt  }
0x65: {  	_ =	shalt  }
0x66: {  	_ =	shalt  }
0x67: {  	_ =	shalt  }
0x68: {  	_ =	shalt  }
0x69: {  	_ =	shalt  }
0x6a: {  	_ =	shalt  }
0x6b: {  	_ =	shalt  }
0x6c: {  	_ =	shalt  }
0x6d: {  	_ =	shalt  }
0x6e: {  	_ =	shalt  }
0x6f: {  	_ =	shalt  }
0x70: {  	_ =	shalt  }
0x71: {  	_ =	shalt  }
0x72: {  	_ =	shalt  }
0x73: {  	_ =	shalt  }
0x74: {  	_ =	shalt  }
0x75: {  	_ =	shalt  }
0x76: {  	_ =	shalt  }
0x77: {  	_ =	shalt  }
0x78: {  	_ =	shalt  }
0x79: {  	_ =	shalt  }
0x7a: {  	_ =	shalt  }
0x7b: {  	_ =	shalt  }
0x7c: {  	_ =	shalt  }
0x7d: {  	_ =	shalt  }
0x7e: {  	_ =	shalt  }
0x7f: {  	_ =	shalt  }
0x80: {  	_ =	shalt  }
0x81: {  	_ =	shalt  }
0x82: {  	_ =	shalt  }
0x83: {  	_ =	shalt  }
0x84: {  	_ =	shalt  }
0x85: {  	_ =	shalt  }
0x86: {  	_ =	shalt  }
0x87: {  	_ =	shalt  }
.Lfunc_end0:
.L_simem_size_0:
called_computation_lowered:
.L_overlay_start_0:
0x88: {  	s2 =	sld [smem:$0x3FD9]  }
0x89: {  	s3 =	sld [smem:$0x3FFE];
	_ =	sdelay $0x1  }
0x8a: {  	s1 =	srdreg.scid  }
0x8b: {  	s0 =	sand.u32 $0x1, s1  }
0x8c: {  	s17 =	sshll.u32 s0, $0xA;
	s2 =	sadd.s32 s3, s2  }
0x8d: {  	s2 =	sadd.s32 s2, s17  }
0x8e: {  	[smem:$0x3FC3] =	sst s2  }
0x8f: {  	_ = 	snop  }
0x90: {  	s2 =	sld [smem:$0x3FC9]  }
0x91: {  	s18 =	sld [smem:$0x3FC8]  }
0x92: {  	s4 =	sld [smem:$0x3FC7];
	(tm) =	ssettm $0x1  }
0x93: {  	s5 =	sld [smem:$0x3FFB];
	_ =	sdelay $0x3  }
0x94: {  	_ =	strace s5  }
0x95: {  	s5 =	sld [smem:$0x3FFC];
	_ =	sdelay $0x3  }
0x96: {  	_ =	strace s5  }
0x97: {  	s5 =	sld [smem:$0x3FFD];
	_ =	sdelay $0x3  }
0x98: {  	_ =	strace s5  }
0x99: {  	_ =	strace $0x8FFFFFFF  }
0x9a: {  	s19 =	sld [smem:$0x3FDB];
	_ =	sdelay $0x1  }
0x9b: {  	s6 =	simm.s32 $_scs_section_size  }
0x9c: {  	s7 =	simm.s32 $_size__tile_overlayer_lowered;
	s8 =	simm.s32 $_tile_overlayer_lowered  }
0x9d: {  	s22 =	simm.s32 $0x1BFF;
	s21 =	sshll.u32 s8, $0x1;
	s5 =	sadd.s32 s6, s19  }
0x9e: {  	s9 =	simm.s32 $0x0;
	s20 =	sshll.u32 s7, $0x1;
	s7 =	sadd.s32 s21, s5  }
0x9f: {  	[timem:s9], [sflag:s22] =	dma.local [hbm:s7], s20  }
0xa0: {  	_ =	swait.ge [sflag:s22], s20  }
0xa1: {  	s6 =	ssub.s32 $0x0, s20;
	[sflag:s22] =	ssyncset.done $0x0  }
0xa2: {  	[sflag:s22] =	ssyncadd.s32 s6;
	_ =	sdelay $0x1  }
0xa3: {  	s23 =	simm.s32 $0x1B8B  }
0xa4: {  	_ =	swait.ge [sflag:s23], $0x1  }
0xa5: {  	[sflag:s23] =	ssyncset.done $0x0  }
0xa6: {  	s25 =	simm.s32 $0x1B8E;
	s24 =	sld [smem:$0x3FFE];
	[sflag:s23] =	ssyncadd.s32 $0xFFFFFFFF  }
0xa7: {  	s26 =	simm.s32 $execute0_lowered;
	[smem:$0x3FD2] =	sst s25  }
0xa8: {  	s7 =	sshll.u32 s26, $0x1;
	_ =	strace $0x80000046;
	[dreg:$0x1] =	wrdreg $0xFFFFFFFF  }
0xa9: {  	s28 =	simm.s32 $_size_execute0_lowered;
	s5 =	sadd.s32 s5, s7;
	[dreg:$0x0] =	wrdreg $0x0  }
0xaa: {  	s7 =	sshll.u32 s28, $0x1;
	[dreg:$0x2] =	wrdreg s5  }
0xab: {  	[dreg:$0x3] =	wrdreg s7  }
0xac: {  	[dreg:$0x4] =	wrdreg $0xC0  }
0xad: {  	_ =	task [dreg:s9], $0x5FFFF  }
0xae: {  	[dreg:$0x1] =	wrdreg $0xFFFFFFFF  }
0xaf: {  	[dreg:$0x0] =	wrdreg $0x60  }
0xb0: {  	[dreg:$0x2] =	wrdreg s2  }
0xb1: {  	[dreg:$0x3] =	wrdreg s18  }
0xb2: {  	[dreg:$0x4] =	wrdreg s4  }
0xb3: {  	[dreg:$0x5] =	wrdreg s24  }
0xb4: {  	[dreg:$0x6] =	wrdreg $0x9  }
0xb5: {  	_ =	task.clear_ibuf [dreg:s9], $0x7FFFF;
	_ =	strace $0x90000046  }
0xb6: {  	s29 =	simm.s32 $0x9;
	_ =	strace $0x80000048  }
0xb7: {  	_ =	swait.ge [sflag:s29], $0x1  }
0xb8: {  	[sflag:s29] =	ssyncadd.s32 $0xFFFFFFFF  }
0xb9: {  	_ =	strace $0x90000048  }
0xba: {  	_ =	sfence  }
0xbb: {  	s30 =	sld [smem:$0x0];
	_ =	sdelay $0x2  }
0xbc: {  	s31 =	sshll.u32 s1, $0xD;
	s1 =	sshrl.u32 s1, $0x2  }
0xbd: {  	s3 =	sand.u32 $0x4000, s31;
	s1 =	sadd.s32 s1, s30  }
0xbe: {  	s0 =	sor.u32 s3, s0;
	s1 =	sshll.u32 s1, $0x11  }
0xbf: {  	s0 =	sor.u32 s1, s0  }
0xc0: {  	s0 =	sadd.s32 $0x8F2B, s0  }
0xc1: {  	[sflag:s0] =	ssyncadd.remote.s32 $0x1  }
0xc2: {  	_ =	sfence.sel $0xFFFF  }
0xc3: {  	[dreg:$0x0] =	wrdreg $0xFFFFFFFF;
	(pc) =	sbr.abs _section_cstart, $3  }
0xc4: {  	[dreg:$0x1] =	wrdreg $0xFFFFFFFF  }
0xc5: {  	_ =	task.clear_ibuf [dreg:s9], $0x2FFFF;
	_ =	strace $0x9FFFFFFF  }
0xc6: {  	(tm) =	ssettm $0x7FFFFFFF  }
0xc7: {  	_ =	shalt  }
tec
execute0_lowered:
.L_overlay_start_1:
0x0: {  	(tag) =	ssettag $0x1  }
0x1: {  	s3 =	rddreg [dreg:$0x0]  }
0x2: {  	s5 =	rddreg [dreg:$0x1];
	s1 =	srdreg.scid  }
0x3: {  	s7 =	rddreg [dreg:$0x2];
	s0 =	stileid.u32;
	s16 =	sand.u32 $0x1, s1  }
0x4: {  	s15 =	rddreg [dreg:$0x3];
	s4 =	sshll.u32 s0, $0xA;
	s6 =	sshll.u32 s16, $0x9  }
0x5: {  	s2 =	simm.s32 $0x0;
	s1 =	rddreg [dreg:$0x4];
	s17 =	sor.u32 s6, s4  }
0x6: {  	[smem:$0x7FF] =	sst s2;
	s8 =	sshrl.u32 s17, $0x3  }
0x7: {  	_ =	strace $0x80000047;
	s4 =	sadd.s32 s3, s8;
	s3 =	simm.s32 $0x2  }
0x8: {  	[tilespmem:s2], [sflag:$0x2] =	stream.linear.gather [hbm4b:s4+s2], $0x200, $0x38;
	[tilespmem:$0x6600] =	vst v63  }
0x9: {  	_ =	swait.ge [sflag:s3], $0x200  }
0xa: {  	[sflag:s3] =	ssyncset.done $0x0  }
0xb: {  	s6 =	simm.s32 $0x200;
	s5 =	sadd.s32 s5, s8;
	[sflag:s3] =	ssyncadd.s32 $0xFFFFFE00  }
0xc: {  	[tilespmem:s6], [sflag:$0x2] =	stream.linear.gather [hbm4b:s5+s2], $0x200, $0x38;
	[tilespmem:$0x6600] =	vst v63  }
0xd: {  	_ =	swait.ge [sflag:s3], $0x200  }
0xe: {  	[sflag:s3] =	ssyncset.done $0x0  }
0xf: {  	s7 =	sadd.s32 s7, s8;
	s8 =	simm.s32 $0x400;
	[sflag:s3] =	ssyncadd.s32 $0xFFFFFE00  }
0x10: {  	[tilespmem:s8], [sflag:$0x2] =	stream.linear.gather [hbm4b:s7+s2], $0x200, $0x38;
	[tilespmem:$0x6600] =	vst v63  }
0x11: {  	_ =	swait.ge [sflag:s3], $0x200  }
0x12: {  	[sflag:s3] =	ssyncset.done $0x0  }
0x13: {  	s10 =	simm.s32 $0x600;
	s9 =	sadd.s32 $0xA00, s15;
	[sflag:s3] =	ssyncadd.s32 $0xFFFFFE00  }
0x14: {  	[tilespmem:s10], [sflag:$0x1] =	stream.indirect.gather [hbm4b:s9+s6], $0x10, s2, s6, $0xb8;
	[tilespmem:$0x6600] =	vst v63  }
0x15: {  	s12 =	simm.s32 $0x2600;
	s11 =	sadd.s32 $0x1E85200, s15  }
0x16: {  	[tilespmem:s12], [sflag:$0x1] =	stream.indirect.gather [hbm4b:s11+s6], $0x10, s6, s6, $0xb8;
	[tilespmem:$0x6600] =	vst v63  }
0x17: {  	s13 =	simm.s32 $0x4600;
	s14 =	simm.s32 $0x1  }
0x18: {  	[tilespmem:s13], [sflag:$0x1] =	stream.indirect.gather [hbm4b:s11+s6], $0x10, s8, s6, $0xb8;
	[tilespmem:$0x6600] =	vst v63  }
0x19: {  	_ =	swait.ge [sflag:s14], $0x2000  }
0x1a: {  	[sflag:s14] =	ssyncset.done $0x0  }
0x1b: {  	[sflag:s14] =	ssyncadd.s32 $0xFFFFE000  }
0x1c: {  	_ =	swait.ge [sflag:s14], $0x2000  }
0x1d: {  	[sflag:s14] =	ssyncset.done $0x0  }
0x1e: {  	[sflag:s14] =	ssyncadd.s32 $0xFFFFE000  }
0x1f: {  	s17 =	sshll.u32 s17, $0x1;
	_ =	swait.ge [sflag:s14], $0x2000  }
0x20: {  	s17 =	sadd.s32 s17, s15;
	[sflag:s14] =	ssyncset.done $0x0  }
0x21: {  	s18 =	ssub.s32 $0x2, s16;
	s15 =	sadd.s32 $0x1F9000, s17;
	[sflag:s14] =	ssyncadd.s32 $0xFFFFE000  }
0x22: {  	[hbm4b:s15+s2] =	stream.linear.scatter [tilespmem:s10], [sflag:$0x2], $0x2000, $0x38;
	[tilespmem:$0x6600] =	vst v63  }
0x23: {  	s19 =	sshrl.u32 s18, $0x1;
	_ =	swait.ge [sflag:s3], $0x2000  }
0x24: {  	s18 =	ssub.s32 s18, s19;
	[sflag:s3] =	ssyncset.done $0x0  }
0x25: {  	s18 =	smax.u32 s18, $0x1;
	s16 =	sadd.s32 $0x1F1000, s17;
	[sflag:s3] =	ssyncadd.s32 $0xFFFFE000  }
0x26: {  	[hbm4b:s16+s2] =	stream.linear.scatter [tilespmem:s12], [sflag:$0x2], $0x2000, $0x38;
	[tilespmem:$0x6600] =	vst v63  }
0x27: {  	p0 =	sne.s32 s18, $0x1;
	_ =	swait.ge [sflag:s3], $0x2000  }
.Ltmp0:
0x28: {  	[sflag:s3] =	ssyncset.done $0x0;
	(pc) =	sbr.rel @!p0 .LBB2_2-.Ltmp0, $4  }
0x29: {  	s17 =	sadd.s32 $0x1E9000, s17;
	[sflag:s3] =	ssyncadd.s32 $0xFFFFE000  }
0x2a: {  	[hbm4b:s17+s2] =	stream.linear.scatter [tilespmem:s13], [sflag:$0x2], $0x2000, $0x38;
	[tilespmem:$0x6600] =	vst v63  }
0x2b: {  	_ =	swait.ge [sflag:s3], $0x2000  }
0x2c: {  	s18 =	sadd.s32 $0xFFFFFFFF, s18;
	[sflag:s3] =	ssyncset.done $0x0  }
.LBB2_1:
0x2d: {  	p0 =	sne.s32 s18, $0x1;
	s18 =	sadd.s32 $0xFFFFFFFF, s18;
	[sflag:s3] =	ssyncadd.s32 $0xFFFFE000  }
0x2e: {  	[tilespmem:s2], [sflag:$0x2] =	stream.linear.gather [hbm4b:s4+s2], $0x200, $0x38;
	[tilespmem:$0x6600] =	vst v63  }
0x2f: {  	_ =	swait.ge [sflag:s3], $0x200  }
0x30: {  	[sflag:s3] =	ssyncset.done $0x0  }
0x31: {  	[sflag:s3] =	ssyncadd.s32 $0xFFFFFE00  }
0x32: {  	[tilespmem:s6], [sflag:$0x2] =	stream.linear.gather [hbm4b:s5+s2], $0x200, $0x38;
	[tilespmem:$0x6600] =	vst v63  }
0x33: {  	_ =	swait.ge [sflag:s3], $0x200  }
0x34: {  	[sflag:s3] =	ssyncset.done $0x0  }
0x35: {  	[sflag:s3] =	ssyncadd.s32 $0xFFFFFE00  }
0x36: {  	[tilespmem:s8], [sflag:$0x2] =	stream.linear.gather [hbm4b:s7+s2], $0x200, $0x38;
	[tilespmem:$0x6600] =	vst v63  }
0x37: {  	_ =	swait.ge [sflag:s3], $0x200  }
0x38: {  	[sflag:s3] =	ssyncset.done $0x0  }
0x39: {  	[sflag:s3] =	ssyncadd.s32 $0xFFFFFE00  }
0x3a: {  	[tilespmem:s10], [sflag:$0x1] =	stream.indirect.gather [hbm4b:s9+s6], $0x10, s2, s6, $0xb8;
	[tilespmem:$0x6600] =	vst v63  }
0x3b: {  	_ = 	snop  }
0x3c: {  	[tilespmem:s12], [sflag:$0x1] =	stream.indirect.gather [hbm4b:s11+s6], $0x10, s6, s6, $0xb8;
	[tilespmem:$0x6600] =	vst v63  }
0x3d: {  	_ = 	snop  }
0x3e: {  	[tilespmem:s13], [sflag:$0x1] =	stream.indirect.gather [hbm4b:s11+s6], $0x10, s8, s6, $0xb8;
	[tilespmem:$0x6600] =	vst v63  }
0x3f: {  	_ =	swait.ge [sflag:s14], $0x2000  }
0x40: {  	[sflag:s14] =	ssyncset.done $0x0  }
0x41: {  	[sflag:s14] =	ssyncadd.s32 $0xFFFFE000  }
0x42: {  	_ =	swait.ge [sflag:s14], $0x2000  }
0x43: {  	[sflag:s14] =	ssyncset.done $0x0  }
0x44: {  	[sflag:s14] =	ssyncadd.s32 $0xFFFFE000  }
0x45: {  	_ =	swait.ge [sflag:s14], $0x2000  }
0x46: {  	[sflag:s14] =	ssyncset.done $0x0  }
0x47: {  	[sflag:s14] =	ssyncadd.s32 $0xFFFFE000  }
0x48: {  	[hbm4b:s15+s2] =	stream.linear.scatter [tilespmem:s10], [sflag:$0x2], $0x2000, $0x38;
	[tilespmem:$0x6600] =	vst v63  }
0x49: {  	_ =	swait.ge [sflag:s3], $0x2000  }
0x4a: {  	[sflag:s3] =	ssyncset.done $0x0  }
0x4b: {  	[sflag:s3] =	ssyncadd.s32 $0xFFFFE000  }
0x4c: {  	[hbm4b:s16+s2] =	stream.linear.scatter [tilespmem:s12], [sflag:$0x2], $0x2000, $0x38;
	[tilespmem:$0x6600] =	vst v63  }
0x4d: {  	_ =	swait.ge [sflag:s3], $0x2000  }
.Ltmp1:
0x4e: {  	[sflag:s3] =	ssyncset.done $0x0;
	(pc) =	sbr.rel @p0 .LBB2_1-.Ltmp1, $4  }
0x4f: {  	[sflag:s3] =	ssyncadd.s32 $0xFFFFE000  }
0x50: {  	[hbm4b:s17+s2] =	stream.linear.scatter [tilespmem:s13], [sflag:$0x2], $0x2000, $0x38;
	[tilespmem:$0x6600] =	vst v63  }
0x51: {  	_ =	swait.ge [sflag:s3], $0x2000  }
0x52: {  	[sflag:s3] =	ssyncset.done $0x0  }
.LBB2_2:
0x53: {  	[sflag:s3] =	ssyncadd.s32 $0xFFFFE000  }
0x54: {  	_ =	sfence.sel $0x180000  }
0x55: {  	[bflag:$0x0] =	sbarrier.arrive $0xFFFF  }
0x56: {  	p0 =	sne.s32 s0, $0x0;
	_ =	strace $0x90000047  }
0x57: {  	s0 =	sadd.s32 @!p0 $0x100000, s1;
	[bflag:$0x2] =	sbarrier.arrive $0xFFFF  }
0x58: {  	[sflag:s0] =	ssyncadd.tile.s32 @!p0 $0x1;
	_ =	shalt  }
.Lfunc_end2:
_tile_overlayer_lowered:
.L_overlay_start_2:
0x59: {  	(tag) =	ssettag $0x2  }
0x5a: {  	s0 =	rddreg [dreg:$0x0];
	s2 =	stileid.u32  }
0x5b: {  	s1 =	rddreg [dreg:$0x1];
	p0 =	sne.s32 s2, $0x0  }
0x5c: {  	s3 =	rddreg [dreg:$0x2];
	[bflag:$0x3] =	sbarrier.arrive $0xFFFF;
	s2 =	simm.s32 @!p0 $0x1C02  }
0x5d: {  	[timem:s3], [sflag:s2] =	dma.local @!p0 [hbm:s0], s1  }
0x5e: {  	s0 =	simm.s32 @!p0 $0x2  }
0x5f: {  	_ =	swait.ge @!p0 [sflag:s0], s1  }
0x60: {  	s1 =	ssub.s32 @!p0 $0x0, s1;
	[sflag:s0] =	ssyncset.done @!p0 $0x0  }
0x61: {  	[sflag:s0] =	ssyncadd.s32 @!p0 s1  }
0x62: {  	[bflag:$0x3] =	sbarrier.arrive $0xFFFF  }
0x63: {  	_ =	shalt  }

</sc_bundles>
